<compile_context>
chip_gen: v7x
topology: tpu7x:2x2x1
jax: 0.10.2.dev20260603
libtpu: 0.0.44.dev20260713+nightly
codegen_flags: <defaults>
</compile_context>

<pallas_src>
import functools

import jax
import jax.numpy as jnp
from jax import lax
from jax.experimental import pallas as pl
from jax.experimental.pallas import tpu as pltpu
from jax.experimental.pallas import tpu_sc as plsc

B, G, P, L = 32, 3, 4, 8
N = B * G * P
NG = B * G
EMBED = 128
FEAT = 2 * EMBED * G
NIDS = 4 * N
NW = 32
IDS_PER_W = NIDS // NW


def _sc_gather(table_hbm, idx_hbm, out_hbm, idx_v, rows_v, sem):
    wid = lax.axis_index("s") * 2 + lax.axis_index("c")
    base = wid * IDS_PER_W
    pltpu.sync_copy(idx_hbm.at[pl.ds(base, IDS_PER_W)], idx_v)
    pltpu.async_copy(table_hbm.at[idx_v], rows_v, sem).wait()
    pltpu.sync_copy(rows_v, out_hbm.at[pl.ds(base, IDS_PER_W)])


@functools.cache
def _sc_gather_call():
    return functools.partial(
        pl.kernel,
        out_type=jax.ShapeDtypeStruct((NIDS, EMBED), jnp.float32),
        mesh=plsc.VectorSubcoreMesh(core_axis_name="c", subcore_axis_name="s"),
        scratch_types=[
            pltpu.VMEM((IDS_PER_W,), jnp.int32),
            pltpu.VMEM((IDS_PER_W, EMBED), jnp.float32),
            pltpu.SemaphoreType.DMA,
        ],
    )(_sc_gather)


def _tc_dense(batch_ref, erows_ref, w_ref, b_ref, w1_ref, b1_ref,
              w2_ref, b2_ref, w3_ref, b3_ref, out_ref):
    ids = batch_ref[...]
    er = erows_ref[...]

    E = [er[N * j:N * (j + 1), :] for j in range(4)]

    def onehot(col):
        c = ids[:, col:col + 1]
        i2 = jax.lax.broadcasted_iota(jnp.int32, (N, 64), 1)
        return (c == i2).astype(jnp.float32)

    moh = [onehot(2 * i + 1) for i in range(3)]
    w = [jnp.dot(m, w_ref[...], preferred_element_type=jnp.float32)
         for m in moh]
    bb = [jnp.dot(m, b_ref[...], preferred_element_type=jnp.float32)
          for m in moh]

    r = jax.lax.broadcasted_iota(jnp.int32, (N, 1), 0)
    g = (r // P) % G

    x = E[0]
    for i in range(3):
        xn = jax.nn.relu(x * w[i] * E[i + 1] + bb[i])
        x = jnp.where(g >= i, xn, x)
    out1 = x

    yfix = jnp.where(g == 0, E[1], jnp.where(g == 1, E[2], E[3]))
    z = E[3]
    for i in (2, 1, 0):
        zn = jax.nn.relu(z * w[i] * yfix + bb[i])
        z = jnp.where(g >= i, zn, z)
    out2 = z

    out = jnp.concatenate([out1, out2], axis=1)
    cnt = ids[:, 7:8].astype(jnp.float32)
    wsum = (cnt * out).reshape(NG, 4 * 2 * EMBED)
    gsum = (wsum[:, 0:256] + wsum[:, 256:512]
            + wsum[:, 512:768] + wsum[:, 768:1024])
    tot = jnp.sum(cnt.reshape(NG, P), axis=1, keepdims=True)
    grp = gsum / tot
    feat = grp.reshape(B, FEAT)

    cdims = (((1,), (1,)), ((), ()))
    h = jax.nn.relu(jax.lax.dot_general(
        feat, w1_ref[...], cdims, preferred_element_type=jnp.float32)
        + b1_ref[...])
    h = jax.nn.relu(jax.lax.dot_general(
        h, w2_ref[...], cdims, preferred_element_type=jnp.float32)
        + b2_ref[...])
    o = jnp.sum(h * w3_ref[...], axis=1, keepdims=True)
    out_ref[...] = o + b3_ref[0]


def kernel(batch, embeds, w_blk, b_blk, W1, b1, W2, b2, W3, b3):
    batch2 = batch.reshape(N, L).astype(jnp.int32)
    idx_e = batch2[:, 0:7:2].T.reshape(NIDS)
    erows = _sc_gather_call()(embeds, idx_e)

    zero = lambda i: (0, 0)
    out = pl.pallas_call(
        _tc_dense,
        grid=(1,),
        in_specs=[
            pl.BlockSpec((N, L), zero),
            pl.BlockSpec((NIDS, EMBED), zero),
            pl.BlockSpec((64, EMBED), zero),
            pl.BlockSpec((64, EMBED), zero),
            pl.BlockSpec((128, FEAT), zero),
            pl.BlockSpec((1, 128), zero),
            pl.BlockSpec((32, 128), zero),
            pl.BlockSpec((1, 32), zero),
            pl.BlockSpec((1, 32), zero),
            pl.BlockSpec(memory_space=pltpu.SMEM),
        ],
        out_specs=pl.BlockSpec((B, 1), zero),
        out_shape=jax.ShapeDtypeStruct((B, 1), jnp.float32),
    )(batch2, erows, w_blk, b_blk, W1, b1.reshape(1, 128),
      W2, b2.reshape(1, 32), W3, b3)
    return out

# --- scband reference (transcript-rebuilt; emitter-appended) ---
"""Pipeline reference for scband-module-net-9672266351161 (READ-ONLY COPY).

The authoritative reference and input builder live on the scoring server;
editing this copy changes nothing except your own understanding.
"""

import jax, jax.numpy as jnp
import numpy as np

NUM_ENTITY = 100000
NUM_METAPATH = 64
MAX_LENGTH = 3
EMBED = 128
C1 = 128
C2 = 32
B, G, P, L = 32, 3, 4, 8


def setup_inputs(seed: int = 0) -> dict:
    key = jax.random.key(seed)
    ks = jax.random.split(key, 10)
    # path rows: [id0, mid0, id1, mid1, id2, mid2, id3, count]; all values in [0, 64)
    # entity ids < num_entity (100000), metapath ids < num_metapath (64) -> fill_max=64 keeps both in range
    batch = jax.random.randint(ks[0], (B, G, P, L), 0, 64)
    embeds = jax.random.normal(ks[1], (NUM_ENTITY, EMBED), dtype=jnp.float32) * 0.1
    w_blk = jax.random.normal(ks[2], (NUM_METAPATH, EMBED), dtype=jnp.float32)
    b_blk = jax.random.normal(ks[3], (NUM_METAPATH, EMBED), dtype=jnp.float32) * 0.01
    W1 = jax.random.normal(ks[4], (C1, 2 * EMBED * MAX_LENGTH), dtype=jnp.float32) / np.sqrt(2.0 * EMBED * MAX_LENGTH)
    b1 = jnp.zeros((C1,), dtype=jnp.float32)
    W2 = jax.random.normal(ks[5], (C2, C1), dtype=jnp.float32) / np.sqrt(float(C1))
    b2 = jnp.zeros((C2,), dtype=jnp.float32)
    W3 = jax.random.normal(ks[6], (1, C2), dtype=jnp.float32) / np.sqrt(float(C2))
    b3 = jnp.zeros((1,), dtype=jnp.float32)
    return {"batch": batch, "embeds": embeds, "w_blk": w_blk, "b_blk": b_blk,
            "W1": W1, "b1": b1, "W2": W2, "b2": b2, "W3": W3, "b3": b3}


def _module_block(x, y, w, b):
    # ModuleBlock.forward: relu(x * weight * y + bias)
    return jax.nn.relu(x * w * y + b)


def _forward_path(ids, length, embeds, w_blk, b_blk):
    # ids: traced int array of 7 entries (count already stripped)
    x = embeds[ids[0]][None, :]
    y = None
    for i in range(length):
        y = embeds[ids[2 * (i + 1)]][None, :]
        mid = ids[2 * i + 1]
        x = _module_block(x, y, w_blk[mid][None, :], b_blk[mid][None, :])
    output1 = x
    # faithful to original: path[-1] of the count-stripped row (index 6)
    x = embeds[ids[-1]][None, :]
    for i in reversed(range(length)):
        mid = ids[2 * i + 1]
        # original bug preserved: next_id=path[2*i] is read but unused; y stays from the forward loop
        x = _module_block(x, y, w_blk[mid][None, :], b_blk[mid][None, :])
    output2 = x
    return jnp.concatenate([output1, output2], axis=1)


def _forward(bt, embeds, w_blk, b_blk, W1, b1, W2, b2, W3, b3):
    outputs = []
    for bi in range(bt.shape[0]):
        data_output = []
        for g in range(bt.shape[1]):
            length = g + 1
            total = 0
            group_output = 0.0
            for p in range(bt.shape[2]):
                row = bt[bi, g, p]
                count = row[-1]
                ids = row[:-1]
                total += count
                group_output = group_output + count * _forward_path(ids, length, embeds, w_blk, b_blk)
            group_output = group_output / total
            data_output.append(group_output)
        feat = jnp.concatenate(data_output, axis=1)  # [1, 2*EMBED*G] = [1, 768]
        h = jax.nn.relu(feat @ W1.T + b1)
        h = jax.nn.relu(h @ W2.T + b2)
        o = h @ W3.T + b3
        outputs.append(o)
    return jnp.concatenate(outputs, axis=0)  # [B, 1]


def reference(batch, embeds, w_blk, b_blk, W1, b1, W2, b2, W3, b3):
    bt = batch
    return _forward(bt, embeds, w_blk, b_blk, W1, b1, W2, b2, W3, b3)

if __name__ == "__main__":
    import jax
    _d = setup_inputs()
    print(jax.jit(kernel)(*tuple(_d.values())))

</pallas_src>

<mosaic_0001>
#map = affine_map<(d0, d1) -> (0, 0)>
#map1 = affine_map<(d0, d1) -> (0)>
module attributes {stable_mosaic.version = 14 : i64} {
  func.func @_sc_gather(%arg0: i32, %arg1: i32, %arg2: memref<100000x128xf32, #tpu.memory_space<hbm>>, %arg3: memref<1536xi32, #tpu.memory_space<hbm>>, %arg4: memref<1536x128xf32, #tpu.memory_space<hbm>>, %arg5: memref<48xi32, #tpu.memory_space<vmem>>, %arg6: memref<48x128xf32, #tpu.memory_space<vmem>>, %arg7: memref<!tpu.dma_semaphore, #tpu.memory_space<semaphore_mem>>) attributes {dimension_semantics = [#tpu.dimension_semantics<core_parallel>, #tpu.dimension_semantics<subcore_parallel>], iteration_bounds = array<i64: 2, 16>, scalar_prefetch = 0 : i64, scratch_operands = 3 : i64, tpu.core_type = #tpu.core_type<sc_vector_subcore>, window_params = [{transform_indices = #map}, {transform_indices = #map1}, {transform_indices = #map}]} {
    %mul3A = arith.constant 2 : i32
    %mul3A_0 = arith.muli %arg1, %mul3A : i32
    %add3A = arith.addi %mul3A_0, %arg0 : i32
    %mul3A_1 = arith.constant 48 : i32
    %mul3A_2 = arith.muli %add3A, %mul3A_1 : i32
    "tpu.region"() ({
      %run_scoped3A = tpu.sem_alloc : memref<!tpu.dma_semaphore, #tpu.memory_space<semaphore_mem>>
      %dma_start3A_7 = tpu.memref_slice %arg3[%mul3A_2] : memref<1536xi32, #tpu.memory_space<hbm>> -> memref<48xi32, #tpu.memory_space<hbm>>
      %dma_start3A_8 = tpu.memref_slice %arg3[%mul3A_2] : memref<1536xi32, #tpu.memory_space<hbm>> -> memref<48xi32, #tpu.memory_space<hbm>>
      tpu.enqueue_dma source(%dma_start3A_8 : memref<48xi32, #tpu.memory_space<hbm>>) target(%arg5 : memref<48xi32, #tpu.memory_space<vmem>>) target_semaphore(%run_scoped3A : memref<!tpu.dma_semaphore, #tpu.memory_space<semaphore_mem>>)
      %dma_wait3A_9 = tpu.memref_slice %arg3[%mul3A_2] : memref<1536xi32, #tpu.memory_space<hbm>> -> memref<48xi32, #tpu.memory_space<hbm>>
      %dma_wait3A_10 = tpu.memref_slice %arg3[%mul3A_2] : memref<1536xi32, #tpu.memory_space<hbm>> -> memref<48xi32, #tpu.memory_space<hbm>>
      tpu.wait_dma2 semaphore(%run_scoped3A : memref<!tpu.dma_semaphore, #tpu.memory_space<semaphore_mem>>) src(%dma_wait3A_10 : memref<48xi32, #tpu.memory_space<hbm>>) dst(%arg5 : memref<48xi32, #tpu.memory_space<vmem>>)
      tpu.yield
    }) : () -> ()
    %dma_start3A = arith.constant 0 : i32
    %dma_start3A_3 = arith.constant 0 : i32
    %dma_start3A_4 = tpu.memref_slice %arg2[%dma_start3A, %dma_start3A_3] : memref<100000x128xf32, #tpu.memory_space<hbm>> -> memref<100000x128xf32, #tpu.memory_space<hbm>>
    tpu.enqueue_indirect_dma source(%dma_start3A_4 : memref<100000x128xf32, #tpu.memory_space<hbm>>) target(%arg6 : memref<48x128xf32, #tpu.memory_space<vmem>>) offsets(%arg5 : memref<48xi32, #tpu.memory_space<vmem>>) semaphore(%arg7 : memref<!tpu.dma_semaphore, #tpu.memory_space<semaphore_mem>>)
    %dma_wait3A = arith.constant 0 : i32
    %dma_wait3A_5 = arith.constant 0 : i32
    %dma_wait3A_6 = tpu.memref_slice %arg2[%dma_wait3A, %dma_wait3A_5] : memref<100000x128xf32, #tpu.memory_space<hbm>> -> memref<100000x128xf32, #tpu.memory_space<hbm>>
    tpu.wait_indirect_dma semaphore(%arg7 : memref<!tpu.dma_semaphore, #tpu.memory_space<semaphore_mem>>) src(%dma_wait3A_6 : memref<100000x128xf32, #tpu.memory_space<hbm>>) dst(%arg6 : memref<48x128xf32, #tpu.memory_space<vmem>>)
    "tpu.region"() ({
      %run_scoped3A = tpu.sem_alloc : memref<!tpu.dma_semaphore, #tpu.memory_space<semaphore_mem>>
      %dma_start3A_7 = arith.constant 0 : i32
      %dma_start3A_8 = tpu.memref_slice %arg4[%mul3A_2, %dma_start3A_7] : memref<1536x128xf32, #tpu.memory_space<hbm>> -> memref<48x128xf32, #tpu.memory_space<hbm>>
      %dma_start3A_9 = arith.constant 0 : i32
      %dma_start3A_10 = tpu.memref_slice %arg4[%mul3A_2, %dma_start3A_9] : memref<1536x128xf32, #tpu.memory_space<hbm>> -> memref<48x128xf32, #tpu.memory_space<hbm>>
      tpu.enqueue_dma source(%arg6 : memref<48x128xf32, #tpu.memory_space<vmem>>) target(%dma_start3A_10 : memref<48x128xf32, #tpu.memory_space<hbm>>) target_semaphore(%run_scoped3A : memref<!tpu.dma_semaphore, #tpu.memory_space<semaphore_mem>>)
      %dma_wait3A_11 = arith.constant 0 : i32
      %dma_wait3A_12 = tpu.memref_slice %arg4[%mul3A_2, %dma_wait3A_11] : memref<1536x128xf32, #tpu.memory_space<hbm>> -> memref<48x128xf32, #tpu.memory_space<hbm>>
      %dma_wait3A_13 = arith.constant 0 : i32
      %dma_wait3A_14 = tpu.memref_slice %arg4[%mul3A_2, %dma_wait3A_13] : memref<1536x128xf32, #tpu.memory_space<hbm>> -> memref<48x128xf32, #tpu.memory_space<hbm>>
      tpu.wait_dma2 semaphore(%run_scoped3A : memref<!tpu.dma_semaphore, #tpu.memory_space<semaphore_mem>>) src(%arg6 : memref<48x128xf32, #tpu.memory_space<vmem>>) dst(%dma_wait3A_14 : memref<48x128xf32, #tpu.memory_space<hbm>>)
      tpu.yield
    }) : () -> ()
    return
  }
}

module attributes {stable_mosaic.version = 14 : i64} {
  func.func @_tc_dense(%arg0: i32, %arg1: memref<384x8xi32, #tpu.memory_space<vmem>>, %arg2: memref<1536x128xf32, #tpu.memory_space<vmem>>, %arg3: memref<64x128xf32, #tpu.memory_space<vmem>>, %arg4: memref<64x128xf32, #tpu.memory_space<vmem>>, %arg5: memref<128x768xf32, #tpu.memory_space<vmem>>, %arg6: memref<1x128xf32, #tpu.memory_space<vmem>>, %arg7: memref<32x128xf32, #tpu.memory_space<vmem>>, %arg8: memref<1x32xf32, #tpu.memory_space<vmem>>, %arg9: memref<1x32xf32, #tpu.memory_space<vmem>>, %arg10: memref<1xf32, #tpu.memory_space<smem>>, %arg11: memref<32x1xf32, #tpu.memory_space<vmem>>) attributes {dimension_semantics = [#tpu.dimension_semantics<arbitrary>], iteration_bounds = array<i64: 1>, scalar_prefetch = 0 : i64, scratch_operands = 0 : i64, tpu.core_type = #tpu.core_type<tc>, window_params = [{pipeline_mode = #tpu.pipeline_mode<synchronous>, transform_indices = @transform_0, window_bounds = array<i64: 384, 8>}, {pipeline_mode = #tpu.pipeline_mode<synchronous>, transform_indices = @transform_1, window_bounds = array<i64: 1536, 128>}, {pipeline_mode = #tpu.pipeline_mode<synchronous>, transform_indices = @transform_2, window_bounds = array<i64: 64, 128>}, {pipeline_mode = #tpu.pipeline_mode<synchronous>, transform_indices = @transform_3, window_bounds = array<i64: 64, 128>}, {pipeline_mode = #tpu.pipeline_mode<synchronous>, transform_indices = @transform_4, window_bounds = array<i64: 128, 768>}, {pipeline_mode = #tpu.pipeline_mode<synchronous>, transform_indices = @transform_5, window_bounds = array<i64: 1, 128>}, {pipeline_mode = #tpu.pipeline_mode<synchronous>, transform_indices = @transform_6, window_bounds = array<i64: 32, 128>}, {pipeline_mode = #tpu.pipeline_mode<synchronous>, transform_indices = @transform_7, window_bounds = array<i64: 1, 32>}, {pipeline_mode = #tpu.pipeline_mode<synchronous>, transform_indices = @transform_8, window_bounds = array<i64: 1, 32>}, {transform_indices = @transform_9, window_bounds = array<i64: 1>}, {pipeline_mode = #tpu.pipeline_mode<synchronous>, transform_indices = @transform_10, window_bounds = array<i64: 32, 1>}]} {
    %get3A = arith.constant 0 : index
    %get3A_0 = arith.constant 0 : index
    %get3A_1 = vector.load %arg1[%get3A, %get3A_0] : memref<384x8xi32, #tpu.memory_space<vmem>>, vector<384x8xi32>
    %get3A_2 = arith.constant 0 : index
    %get3A_3 = arith.constant 0 : index
    %get3A_4 = vector.load %arg2[%get3A_2, %get3A_3] : memref<1536x128xf32, #tpu.memory_space<vmem>>, vector<1536x128xf32>
    %slice3A = vector.extract_strided_slice %get3A_4 {offsets = [0, 0], sizes = [384, 128], strides = [1, 1]} : vector<1536x128xf32> to vector<384x128xf32>
    %slice3A_5 = vector.extract_strided_slice %get3A_4 {offsets = [384, 0], sizes = [384, 128], strides = [1, 1]} : vector<1536x128xf32> to vector<384x128xf32>
    %slice3A_6 = vector.extract_strided_slice %get3A_4 {offsets = [768, 0], sizes = [384, 128], strides = [1, 1]} : vector<1536x128xf32> to vector<384x128xf32>
    %slice3A_7 = vector.extract_strided_slice %get3A_4 {offsets = [1152, 0], sizes = [384, 128], strides = [1, 1]} : vector<1536x128xf32> to vector<384x128xf32>
    %slice3A_8 = vector.extract_strided_slice %get3A_1 {offsets = [0, 1], sizes = [384, 1], strides = [1, 1]} : vector<384x8xi32> to vector<384x1xi32>
    %iota3A = tpu.iota {dimensions = array<i32: 1>} : vector<384x64xi32>
    %eq3A = vector.broadcast %slice3A_8 : vector<384x1xi32> to vector<384x64xi32>
    %eq3A_9 = arith.cmpi eq, %eq3A, %iota3A : vector<384x64xi32>
    %convert_element_type3A = arith.extui %eq3A_9 : vector<384x64xi1> to vector<384x64xi32>
    %convert_element_type3A_10 = arith.sitofp %convert_element_type3A : vector<384x64xi32> to vector<384x64xf32>
    %slice3A_11 = vector.extract_strided_slice %get3A_1 {offsets = [0, 3], sizes = [384, 1], strides = [1, 1]} : vector<384x8xi32> to vector<384x1xi32>
    %iota3A_12 = tpu.iota {dimensions = array<i32: 1>} : vector<384x64xi32>
    %eq3A_13 = vector.broadcast %slice3A_11 : vector<384x1xi32> to vector<384x64xi32>
    %eq3A_14 = arith.cmpi eq, %eq3A_13, %iota3A_12 : vector<384x64xi32>
    %convert_element_type3A_15 = arith.extui %eq3A_14 : vector<384x64xi1> to vector<384x64xi32>
    %convert_element_type3A_16 = arith.sitofp %convert_element_type3A_15 : vector<384x64xi32> to vector<384x64xf32>
    %slice3A_17 = vector.extract_strided_slice %get3A_1 {offsets = [0, 5], sizes = [384, 1], strides = [1, 1]} : vector<384x8xi32> to vector<384x1xi32>
    %iota3A_18 = tpu.iota {dimensions = array<i32: 1>} : vector<384x64xi32>
    %eq3A_19 = vector.broadcast %slice3A_17 : vector<384x1xi32> to vector<384x64xi32>
    %eq3A_20 = arith.cmpi eq, %eq3A_19, %iota3A_18 : vector<384x64xi32>
    %convert_element_type3A_21 = arith.extui %eq3A_20 : vector<384x64xi1> to vector<384x64xi32>
    %convert_element_type3A_22 = arith.sitofp %convert_element_type3A_21 : vector<384x64xi32> to vector<384x64xf32>
    %get3A_23 = arith.constant 0 : index
    %get3A_24 = arith.constant 0 : index
    %get3A_25 = vector.load %arg3[%get3A_23, %get3A_24] : memref<64x128xf32, #tpu.memory_space<vmem>>, vector<64x128xf32>
    %dot_general3A = arith.constant dense<0.000000e+00> : vector<384x128xf32>
    %dot_general3A_26 = tpu.matmul %convert_element_type3A_10, %get3A_25, %dot_general3A {dimension_numbers = #tpu.dot_dimension_numbers<[1], [0], [0], [1], [0, 0, 1, 1], [], []>, transpose_lhs_hint = false} : vector<384x64xf32>, vector<64x128xf32>, vector<384x128xf32> -> vector<384x128xf32>
    %get3A_27 = arith.constant 0 : index
    %get3A_28 = arith.constant 0 : index
    %get3A_29 = vector.load %arg3[%get3A_27, %get3A_28] : memref<64x128xf32, #tpu.memory_space<vmem>>, vector<64x128xf32>
    %dot_general3A_30 = arith.constant dense<0.000000e+00> : vector<384x128xf32>
    %dot_general3A_31 = tpu.matmul %convert_element_type3A_16, %get3A_29, %dot_general3A_30 {dimension_numbers = #tpu.dot_dimension_numbers<[1], [0], [0], [1], [0, 0, 1, 1], [], []>, transpose_lhs_hint = false} : vector<384x64xf32>, vector<64x128xf32>, vector<384x128xf32> -> vector<384x128xf32>
    %get3A_32 = arith.constant 0 : index
    %get3A_33 = arith.constant 0 : index
    %get3A_34 = vector.load %arg3[%get3A_32, %get3A_33] : memref<64x128xf32, #tpu.memory_space<vmem>>, vector<64x128xf32>
    %dot_general3A_35 = arith.constant dense<0.000000e+00> : vector<384x128xf32>
    %dot_general3A_36 = tpu.matmul %convert_element_type3A_22, %get3A_34, %dot_general3A_35 {dimension_numbers = #tpu.dot_dimension_numbers<[1], [0], [0], [1], [0, 0, 1, 1], [], []>, transpose_lhs_hint = false} : vector<384x64xf32>, vector<64x128xf32>, vector<384x128xf32> -> vector<384x128xf32>
    %get3A_37 = arith.constant 0 : index
    %get3A_38 = arith.constant 0 : index
    %get3A_39 = vector.load %arg4[%get3A_37, %get3A_38] : memref<64x128xf32, #tpu.memory_space<vmem>>, vector<64x128xf32>
    %dot_general3A_40 = arith.constant dense<0.000000e+00> : vector<384x128xf32>
    %dot_general3A_41 = tpu.matmul %convert_element_type3A_10, %get3A_39, %dot_general3A_40 {dimension_numbers = #tpu.dot_dimension_numbers<[1], [0], [0], [1], [0, 0, 1, 1], [], []>, transpose_lhs_hint = false} : vector<384x64xf32>, vector<64x128xf32>, vector<384x128xf32> -> vector<384x128xf32>
    %get3A_42 = arith.constant 0 : index
    %get3A_43 = arith.constant 0 : index
    %get3A_44 = vector.load %arg4[%get3A_42, %get3A_43] : memref<64x128xf32, #tpu.memory_space<vmem>>, vector<64x128xf32>
    %dot_general3A_45 = arith.constant dense<0.000000e+00> : vector<384x128xf32>
    %dot_general3A_46 = tpu.matmul %convert_element_type3A_16, %get3A_44, %dot_general3A_45 {dimension_numbers = #tpu.dot_dimension_numbers<[1], [0], [0], [1], [0, 0, 1, 1], [], []>, transpose_lhs_hint = false} : vector<384x64xf32>, vector<64x128xf32>, vector<384x128xf32> -> vector<384x128xf32>
    %get3A_47 = arith.constant 0 : index
    %get3A_48 = arith.constant 0 : index
    %get3A_49 = vector.load %arg4[%get3A_47, %get3A_48] : memref<64x128xf32, #tpu.memory_space<vmem>>, vector<64x128xf32>
    %dot_general3A_50 = arith.constant dense<0.000000e+00> : vector<384x128xf32>
    %dot_general3A_51 = tpu.matmul %convert_element_type3A_22, %get3A_49, %dot_general3A_50 {dimension_numbers = #tpu.dot_dimension_numbers<[1], [0], [0], [1], [0, 0, 1, 1], [], []>, transpose_lhs_hint = false} : vector<384x64xf32>, vector<64x128xf32>, vector<384x128xf32> -> vector<384x128xf32>
    %iota3A_52 = tpu.iota {dimensions = array<i32: 0>} : vector<384x1xi32>
    %jit3A = arith.constant 4 : i32
    %div3A = vector.broadcast %jit3A : i32 to vector<384x1xi32>
    %div3A_53 = arith.divsi %iota3A_52, %div3A : vector<384x1xi32>
    %sign3A = arith.constant 0 : i32
    %sign3A_54 = vector.broadcast %sign3A : i32 to vector<384x1xi32>
    %sign3A_55 = arith.cmpi sgt, %iota3A_52, %sign3A_54 : vector<384x1xi32>
    %sign3A_56 = arith.extui %sign3A_55 : vector<384x1xi1> to vector<384x1xi32>
    %sign3A_57 = arith.constant 0 : i32
    %sign3A_58 = vector.broadcast %sign3A_57 : i32 to vector<384x1xi32>
    %sign3A_59 = arith.cmpi slt, %iota3A_52, %sign3A_58 : vector<384x1xi32>
    %sign3A_60 = arith.extui %sign3A_59 : vector<384x1xi1> to vector<384x1xi32>
    %sign3A_61 = arith.subi %sign3A_56, %sign3A_60 : vector<384x1xi32>
    %sign3A_62 = arith.constant 0 : i32
    %sign3A_63 = arith.cmpi sgt, %jit3A, %sign3A_62 : i32
    %sign3A_64 = arith.extui %sign3A_63 : i1 to i32
    %sign3A_65 = arith.constant 0 : i32
    %sign3A_66 = arith.cmpi slt, %jit3A, %sign3A_65 : i32
    %sign3A_67 = arith.extui %sign3A_66 : i1 to i32
    %sign3A_68 = arith.subi %sign3A_64, %sign3A_67 : i32
    %ne3A = vector.broadcast %sign3A_68 : i32 to vector<384x1xi32>
    %ne3A_69 = arith.cmpi ne, %sign3A_61, %ne3A : vector<384x1xi32>
    %rem3A = vector.broadcast %jit3A : i32 to vector<384x1xi32>
    %rem3A_70 = arith.remsi %iota3A_52, %rem3A : vector<384x1xi32>
    %ne3A_71 = arith.constant 0 : i32
    %ne3A_72 = vector.broadcast %ne3A_71 : i32 to vector<384x1xi32>
    %ne3A_73 = arith.cmpi ne, %rem3A_70, %ne3A_72 : vector<384x1xi32>
    %and3A = arith.andi %ne3A_69, %ne3A_73 : vector<384x1xi1>
    %sub3A = arith.constant 1 : i32
    %sub3A_74 = vector.broadcast %sub3A : i32 to vector<384x1xi32>
    %sub3A_75 = arith.subi %div3A_53, %sub3A_74 : vector<384x1xi32>
    %select_n3A = arith.select %and3A, %sub3A_75, %div3A_53 : vector<384x1xi1>, vector<384x1xi32>
    %jit3A_76 = arith.constant 3 : i32
    %eq3A_77 = arith.constant 0 : i32
    %eq3A_78 = arith.cmpi eq, %jit3A_76, %eq3A_77 : i32
    %jit3A_79 = arith.constant 1 : i32
    %select_n3A_80 = arith.select %eq3A_78, %jit3A_79, %jit3A_76 : i32
    %rem3A_81 = vector.broadcast %select_n3A_80 : i32 to vector<384x1xi32>
    %rem3A_82 = arith.remsi %select_n3A, %rem3A_81 : vector<384x1xi32>
    %ne3A_83 = arith.constant 0 : i32
    %ne3A_84 = vector.broadcast %ne3A_83 : i32 to vector<384x1xi32>
    %ne3A_85 = arith.cmpi ne, %rem3A_82, %ne3A_84 : vector<384x1xi32>
    %lt3A = arith.constant 0 : i32
    %lt3A_86 = vector.broadcast %lt3A : i32 to vector<384x1xi32>
    %lt3A_87 = arith.cmpi slt, %rem3A_82, %lt3A_86 : vector<384x1xi32>
    %lt3A_88 = arith.constant 0 : i32
    %lt3A_89 = arith.cmpi slt, %select_n3A_80, %lt3A_88 : i32
    %ne3A_90 = vector.broadcast %lt3A_89 : i1 to vector<384x1xi1>
    %ne3A_91 = vector.broadcast %ne3A_90 : vector<384x1xi1> to vector<384x1xi1>
    %ne3A_92 = arith.xori %lt3A_87, %ne3A_91 : vector<384x1xi1>
    %and3A_93 = arith.andi %ne3A_92, %ne3A_85 : vector<384x1xi1>
    %add3A = vector.broadcast %select_n3A_80 : i32 to vector<384x1xi32>
    %add3A_94 = arith.addi %rem3A_82, %add3A : vector<384x1xi32>
    %select_n3A_95 = arith.select %and3A_93, %add3A_94, %rem3A_82 : vector<384x1xi1>, vector<384x1xi32>
    %mul3A = arith.mulf %slice3A, %dot_general3A_26 : vector<384x128xf32>
    %mul3A_96 = arith.mulf %mul3A, %slice3A_5 : vector<384x128xf32>
    %add3A_97 = arith.addf %mul3A_96, %dot_general3A_41 : vector<384x128xf32>
    %max3A = arith.constant 0.000000e+00 : f32
    %max3A_98 = vector.broadcast %max3A : f32 to vector<384x128xf32>
    %max3A_99 = arith.maximumf %add3A_97, %max3A_98 : vector<384x128xf32>
    %ge3A = arith.constant 0 : i32
    %ge3A_100 = vector.broadcast %ge3A : i32 to vector<384x1xi32>
    %ge3A_101 = arith.cmpi sge, %select_n3A_95, %ge3A_100 : vector<384x1xi32>
    %broadcast_in_dim3A = vector.shape_cast %ge3A_101 : vector<384x1xi1> to vector<384x1xi1>
    %broadcast_in_dim3A_102 = vector.broadcast %broadcast_in_dim3A : vector<384x1xi1> to vector<384x128xi1>
    %select_n3A_103 = arith.select %broadcast_in_dim3A_102, %max3A_99, %slice3A : vector<384x128xi1>, vector<384x128xf32>
    %mul3A_104 = arith.mulf %select_n3A_103, %dot_general3A_31 : vector<384x128xf32>
    %mul3A_105 = arith.mulf %mul3A_104, %slice3A_6 : vector<384x128xf32>
    %add3A_106 = arith.addf %mul3A_105, %dot_general3A_46 : vector<384x128xf32>
    %max3A_107 = arith.constant 0.000000e+00 : f32
    %max3A_108 = vector.broadcast %max3A_107 : f32 to vector<384x128xf32>
    %max3A_109 = arith.maximumf %add3A_106, %max3A_108 : vector<384x128xf32>
    %ge3A_110 = arith.constant 1 : i32
    %ge3A_111 = vector.broadcast %ge3A_110 : i32 to vector<384x1xi32>
    %ge3A_112 = arith.cmpi sge, %select_n3A_95, %ge3A_111 : vector<384x1xi32>
    %broadcast_in_dim3A_113 = vector.shape_cast %ge3A_112 : vector<384x1xi1> to vector<384x1xi1>
    %broadcast_in_dim3A_114 = vector.broadcast %broadcast_in_dim3A_113 : vector<384x1xi1> to vector<384x128xi1>
    %select_n3A_115 = arith.select %broadcast_in_dim3A_114, %max3A_109, %select_n3A_103 : vector<384x128xi1>, vector<384x128xf32>
    %mul3A_116 = arith.mulf %select_n3A_115, %dot_general3A_36 : vector<384x128xf32>
    %mul3A_117 = arith.mulf %mul3A_116, %slice3A_7 : vector<384x128xf32>
    %add3A_118 = arith.addf %mul3A_117, %dot_general3A_51 : vector<384x128xf32>
    %max3A_119 = arith.constant 0.000000e+00 : f32
    %max3A_120 = vector.broadcast %max3A_119 : f32 to vector<384x128xf32>
    %max3A_121 = arith.maximumf %add3A_118, %max3A_120 : vector<384x128xf32>
    %ge3A_122 = arith.constant 2 : i32
    %ge3A_123 = vector.broadcast %ge3A_122 : i32 to vector<384x1xi32>
    %ge3A_124 = arith.cmpi sge, %select_n3A_95, %ge3A_123 : vector<384x1xi32>
    %broadcast_in_dim3A_125 = vector.shape_cast %ge3A_124 : vector<384x1xi1> to vector<384x1xi1>
    %broadcast_in_dim3A_126 = vector.broadcast %broadcast_in_dim3A_125 : vector<384x1xi1> to vector<384x128xi1>
    %select_n3A_127 = arith.select %broadcast_in_dim3A_126, %max3A_121, %select_n3A_115 : vector<384x128xi1>, vector<384x128xf32>
    %eq3A_128 = arith.constant 0 : i32
    %eq3A_129 = vector.broadcast %eq3A_128 : i32 to vector<384x1xi32>
    %eq3A_130 = arith.cmpi eq, %select_n3A_95, %eq3A_129 : vector<384x1xi32>
    %eq3A_131 = arith.constant 1 : i32
    %eq3A_132 = vector.broadcast %eq3A_131 : i32 to vector<384x1xi32>
    %eq3A_133 = arith.cmpi eq, %select_n3A_95, %eq3A_132 : vector<384x1xi32>
    %broadcast_in_dim3A_134 = vector.shape_cast %eq3A_133 : vector<384x1xi1> to vector<384x1xi1>
    %broadcast_in_dim3A_135 = vector.broadcast %broadcast_in_dim3A_134 : vector<384x1xi1> to vector<384x128xi1>
    %select_n3A_136 = arith.select %broadcast_in_dim3A_135, %slice3A_6, %slice3A_7 : vector<384x128xi1>, vector<384x128xf32>
    %broadcast_in_dim3A_137 = vector.shape_cast %eq3A_130 : vector<384x1xi1> to vector<384x1xi1>
    %broadcast_in_dim3A_138 = vector.broadcast %broadcast_in_dim3A_137 : vector<384x1xi1> to vector<384x128xi1>
    %select_n3A_139 = arith.select %broadcast_in_dim3A_138, %slice3A_5, %select_n3A_136 : vector<384x128xi1>, vector<384x128xf32>
    %mul3A_140 = arith.mulf %slice3A_7, %dot_general3A_36 : vector<384x128xf32>
    %mul3A_141 = arith.mulf %mul3A_140, %select_n3A_139 : vector<384x128xf32>
    %add3A_142 = arith.addf %mul3A_141, %dot_general3A_51 : vector<384x128xf32>
    %max3A_143 = arith.constant 0.000000e+00 : f32
    %max3A_144 = vector.broadcast %max3A_143 : f32 to vector<384x128xf32>
    %max3A_145 = arith.maximumf %add3A_142, %max3A_144 : vector<384x128xf32>
    %ge3A_146 = arith.constant 2 : i32
    %ge3A_147 = vector.broadcast %ge3A_146 : i32 to vector<384x1xi32>
    %ge3A_148 = arith.cmpi sge, %select_n3A_95, %ge3A_147 : vector<384x1xi32>
    %broadcast_in_dim3A_149 = vector.shape_cast %ge3A_148 : vector<384x1xi1> to vector<384x1xi1>
    %broadcast_in_dim3A_150 = vector.broadcast %broadcast_in_dim3A_149 : vector<384x1xi1> to vector<384x128xi1>
    %select_n3A_151 = arith.select %broadcast_in_dim3A_150, %max3A_145, %slice3A_7 : vector<384x128xi1>, vector<384x128xf32>
    %mul3A_152 = arith.mulf %select_n3A_151, %dot_general3A_31 : vector<384x128xf32>
    %mul3A_153 = arith.mulf %mul3A_152, %select_n3A_139 : vector<384x128xf32>
    %add3A_154 = arith.addf %mul3A_153, %dot_general3A_46 : vector<384x128xf32>
    %max3A_155 = arith.constant 0.000000e+00 : f32
    %max3A_156 = vector.broadcast %max3A_155 : f32 to vector<384x128xf32>
    %max3A_157 = arith.maximumf %add3A_154, %max3A_156 : vector<384x128xf32>
    %ge3A_158 = arith.constant 1 : i32
    %ge3A_159 = vector.broadcast %ge3A_158 : i32 to vector<384x1xi32>
    %ge3A_160 = arith.cmpi sge, %select_n3A_95, %ge3A_159 : vector<384x1xi32>
    %broadcast_in_dim3A_161 = vector.shape_cast %ge3A_160 : vector<384x1xi1> to vector<384x1xi1>
    %broadcast_in_dim3A_162 = vector.broadcast %broadcast_in_dim3A_161 : vector<384x1xi1> to vector<384x128xi1>
    %select_n3A_163 = arith.select %broadcast_in_dim3A_162, %max3A_157, %select_n3A_151 : vector<384x128xi1>, vector<384x128xf32>
    %mul3A_164 = arith.mulf %select_n3A_163, %dot_general3A_26 : vector<384x128xf32>
    %mul3A_165 = arith.mulf %mul3A_164, %select_n3A_139 : vector<384x128xf32>
    %add3A_166 = arith.addf %mul3A_165, %dot_general3A_41 : vector<384x128xf32>
    %max3A_167 = arith.constant 0.000000e+00 : f32
    %max3A_168 = vector.broadcast %max3A_167 : f32 to vector<384x128xf32>
    %max3A_169 = arith.maximumf %add3A_166, %max3A_168 : vector<384x128xf32>
    %ge3A_170 = arith.constant 0 : i32
    %ge3A_171 = vector.broadcast %ge3A_170 : i32 to vector<384x1xi32>
    %ge3A_172 = arith.cmpi sge, %select_n3A_95, %ge3A_171 : vector<384x1xi32>
    %broadcast_in_dim3A_173 = vector.shape_cast %ge3A_172 : vector<384x1xi1> to vector<384x1xi1>
    %broadcast_in_dim3A_174 = vector.broadcast %broadcast_in_dim3A_173 : vector<384x1xi1> to vector<384x128xi1>
    %select_n3A_175 = arith.select %broadcast_in_dim3A_174, %max3A_169, %select_n3A_163 : vector<384x128xi1>, vector<384x128xf32>
    %concatenate3A = tpu.concatenate %select_n3A_127, %select_n3A_175 in 1 : vector<384x128xf32>, vector<384x128xf32> -> vector<384x256xf32>
    %slice3A_176 = vector.extract_strided_slice %get3A_1 {offsets = [0, 7], sizes = [384, 1], strides = [1, 1]} : vector<384x8xi32> to vector<384x1xi32>
    %convert_element_type3A_177 = arith.sitofp %slice3A_176 : vector<384x1xi32> to vector<384x1xf32>
    %mul3A_178 = vector.broadcast %convert_element_type3A_177 : vector<384x1xf32> to vector<384x256xf32>
    %mul3A_179 = arith.mulf %mul3A_178, %concatenate3A : vector<384x256xf32>
    %reshape3A = vector.shape_cast %mul3A_179 : vector<384x256xf32> to vector<96x1024xf32>
    %slice3A_180 = vector.extract_strided_slice %reshape3A {offsets = [0, 0], sizes = [96, 256], strides = [1, 1]} : vector<96x1024xf32> to vector<96x256xf32>
    %slice3A_181 = vector.extract_strided_slice %reshape3A {offsets = [0, 256], sizes = [96, 256], strides = [1, 1]} : vector<96x1024xf32> to vector<96x256xf32>
    %add3A_182 = arith.addf %slice3A_180, %slice3A_181 : vector<96x256xf32>
    %slice3A_183 = vector.extract_strided_slice %reshape3A {offsets = [0, 512], sizes = [96, 256], strides = [1, 1]} : vector<96x1024xf32> to vector<96x256xf32>
    %add3A_184 = arith.addf %add3A_182, %slice3A_183 : vector<96x256xf32>
    %slice3A_185 = vector.extract_strided_slice %reshape3A {offsets = [0, 768], sizes = [96, 256], strides = [1, 1]} : vector<96x1024xf32> to vector<96x256xf32>
    %add3A_186 = arith.addf %add3A_184, %slice3A_185 : vector<96x256xf32>
    %reshape3A_187 = vector.shape_cast %convert_element_type3A_177 : vector<384x1xf32> to vector<96x4xf32>
    %reduce_sum3A = arith.constant dense<0.000000e+00> : vector<96xf32>
    %reduce_sum3A_188 = vector.multi_reduction <add>, %reshape3A_187, %reduce_sum3A [1] : vector<96x4xf32> to vector<96xf32>
    %broadcast_in_dim3A_189 = vector.shape_cast %reduce_sum3A_188 : vector<96xf32> to vector<96x1xf32>
    %div3A_190 = vector.broadcast %broadcast_in_dim3A_189 : vector<96x1xf32> to vector<96x256xf32>
    %div3A_191 = arith.divf %add3A_186, %div3A_190 : vector<96x256xf32>
    %reshape3A_192 = vector.shape_cast %div3A_191 : vector<96x256xf32> to vector<32x768xf32>
    %get3A_193 = arith.constant 0 : index
    %get3A_194 = arith.constant 0 : index
    %get3A_195 = vector.load %arg5[%get3A_193, %get3A_194] : memref<128x768xf32, #tpu.memory_space<vmem>>, vector<128x768xf32>
    %dot_general3A_196 = arith.constant dense<0.000000e+00> : vector<32x128xf32>
    %dot_general3A_197 = tpu.matmul %reshape3A_192, %get3A_195, %dot_general3A_196 {dimension_numbers = #tpu.dot_dimension_numbers<[1], [1], [0], [0], [0, 0, 1, 0], [], []>, transpose_lhs_hint = false} : vector<32x768xf32>, vector<128x768xf32>, vector<32x128xf32> -> vector<32x128xf32>
    %get3A_198 = arith.constant 0 : index
    %get3A_199 = arith.constant 0 : index
    %get3A_200 = vector.load %arg6[%get3A_198, %get3A_199] : memref<1x128xf32, #tpu.memory_space<vmem>>, vector<1x128xf32>
    %add3A_201 = vector.broadcast %get3A_200 : vector<1x128xf32> to vector<32x128xf32>
    %add3A_202 = arith.addf %dot_general3A_197, %add3A_201 : vector<32x128xf32>
    %max3A_203 = arith.constant 0.000000e+00 : f32
    %max3A_204 = vector.broadcast %max3A_203 : f32 to vector<32x128xf32>
    %max3A_205 = arith.maximumf %add3A_202, %max3A_204 : vector<32x128xf32>
    %get3A_206 = arith.constant 0 : index
    %get3A_207 = arith.constant 0 : index
    %get3A_208 = vector.load %arg7[%get3A_206, %get3A_207] : memref<32x128xf32, #tpu.memory_space<vmem>>, vector<32x128xf32>
    %dot_general3A_209 = arith.constant dense<0.000000e+00> : vector<32x32xf32>
    %dot_general3A_210 = tpu.matmul %max3A_205, %get3A_208, %dot_general3A_209 {dimension_numbers = #tpu.dot_dimension_numbers<[1], [1], [0], [0], [0, 0, 1, 0], [], []>, transpose_lhs_hint = false} : vector<32x128xf32>, vector<32x128xf32>, vector<32x32xf32> -> vector<32x32xf32>
    %get3A_211 = arith.constant 0 : index
    %get3A_212 = arith.constant 0 : index
    %get3A_213 = vector.load %arg8[%get3A_211, %get3A_212] : memref<1x32xf32, #tpu.memory_space<vmem>>, vector<1x32xf32>
    %add3A_214 = vector.broadcast %get3A_213 : vector<1x32xf32> to vector<32x32xf32>
    %add3A_215 = arith.addf %dot_general3A_210, %add3A_214 : vector<32x32xf32>
    %max3A_216 = arith.constant 0.000000e+00 : f32
    %max3A_217 = vector.broadcast %max3A_216 : f32 to vector<32x32xf32>
    %max3A_218 = arith.maximumf %add3A_215, %max3A_217 : vector<32x32xf32>
    %get3A_219 = arith.constant 0 : index
    %get3A_220 = arith.constant 0 : index
    %get3A_221 = vector.load %arg9[%get3A_219, %get3A_220] : memref<1x32xf32, #tpu.memory_space<vmem>>, vector<1x32xf32>
    %mul3A_222 = vector.broadcast %get3A_221 : vector<1x32xf32> to vector<32x32xf32>
    %mul3A_223 = arith.mulf %max3A_218, %mul3A_222 : vector<32x32xf32>
    %reduce_sum3A_224 = arith.constant dense<0.000000e+00> : vector<32xf32>
    %reduce_sum3A_225 = vector.multi_reduction <add>, %mul3A_223, %reduce_sum3A_224 [1] : vector<32x32xf32> to vector<32xf32>
    %broadcast_in_dim3A_226 = vector.shape_cast %reduce_sum3A_225 : vector<32xf32> to vector<32x1xf32>
    %get3A_227 = arith.constant 0 : index
    %get3A_228 = memref.load %arg10[%get3A_227] : memref<1xf32, #tpu.memory_space<smem>>
    %add3A_229 = vector.broadcast %get3A_228 : f32 to vector<32x1xf32>
    %add3A_230 = arith.addf %broadcast_in_dim3A_226, %add3A_229 : vector<32x1xf32>
    %swap3A = arith.constant 0 : index
    %swap3A_231 = arith.constant 0 : index
    %swap3A_232 = vector.load %arg11[%swap3A, %swap3A_231] : memref<32x1xf32, #tpu.memory_space<vmem>>, vector<32x1xf32>
    tpu.vector_store %arg11[%swap3A, %swap3A_231], %add3A_230 {strides = array<i32>} : memref<32x1xf32, #tpu.memory_space<vmem>>, vector<32x1xf32>,
    return
  }
  func.func @transform_0(%arg0: i32) -> (i32, i32) {
    %c0_i32 = arith.constant 0 : i32
    %c0_i32_0 = arith.constant 0 : i32
    %c0_i32_1 = arith.constant 0 : i32
    return %c0_i32, %c0_i32_0 : i32, i32
  }
  func.func @transform_1(%arg0: i32) -> (i32, i32) {
    %c0_i32 = arith.constant 0 : i32
    %c0_i32_0 = arith.constant 0 : i32
    %c0_i32_1 = arith.constant 0 : i32
    return %c0_i32, %c0_i32_0 : i32, i32
  }
  func.func @transform_2(%arg0: i32) -> (i32, i32) {
    %c0_i32 = arith.constant 0 : i32
    %c0_i32_0 = arith.constant 0 : i32
    %c0_i32_1 = arith.constant 0 : i32
    return %c0_i32, %c0_i32_0 : i32, i32
  }
  func.func @transform_3(%arg0: i32) -> (i32, i32) {
    %c0_i32 = arith.constant 0 : i32
    %c0_i32_0 = arith.constant 0 : i32
    %c0_i32_1 = arith.constant 0 : i32
    return %c0_i32, %c0_i32_0 : i32, i32
  }
  func.func @transform_4(%arg0: i32) -> (i32, i32) {
    %c0_i32 = arith.constant 0 : i32
    %c0_i32_0 = arith.constant 0 : i32
    %c0_i32_1 = arith.constant 0 : i32
    return %c0_i32, %c0_i32_0 : i32, i32
  }
  func.func @transform_5(%arg0: i32) -> (i32, i32) {
    %c0_i32 = arith.constant 0 : i32
    %c0_i32_0 = arith.constant 0 : i32
    %c0_i32_1 = arith.constant 0 : i32
    return %c0_i32, %c0_i32_0 : i32, i32
  }
  func.func @transform_6(%arg0: i32) -> (i32, i32) {
    %c0_i32 = arith.constant 0 : i32
    %c0_i32_0 = arith.constant 0 : i32
    %c0_i32_1 = arith.constant 0 : i32
    return %c0_i32, %c0_i32_0 : i32, i32
  }
  func.func @transform_7(%arg0: i32) -> (i32, i32) {
    %c0_i32 = arith.constant 0 : i32
    %c0_i32_0 = arith.constant 0 : i32
    %c0_i32_1 = arith.constant 0 : i32
    return %c0_i32, %c0_i32_0 : i32, i32
  }
  func.func @transform_8(%arg0: i32) -> (i32, i32) {
    %c0_i32 = arith.constant 0 : i32
    %c0_i32_0 = arith.constant 0 : i32
    %c0_i32_1 = arith.constant 0 : i32
    return %c0_i32, %c0_i32_0 : i32, i32
  }
  func.func @transform_9(%arg0: i32) -> i32 {
    %c0_i32 = arith.constant 0 : i32
    %c0_i32_0 = arith.constant 0 : i32
    return %c0_i32 : i32
  }
  func.func @transform_10(%arg0: i32) -> (i32, i32) {
    %c0_i32 = arith.constant 0 : i32
    %c0_i32_0 = arith.constant 0 : i32
    %c0_i32_1 = arith.constant 0 : i32
    return %c0_i32, %c0_i32_0 : i32, i32
  }
}

</mosaic_0001>

<sc_bundles>
// kernel: kernel.4.cloned.1.call-start
scs
__scs_entry_jumppad:
0x0: {  	(pc) =	sbr.rel $0x88, $3  }
0x1: {  	(tag) =	ssettag $0x0;
	lr =	simm.s32 $0x1  }
0x2: {  	[smem:$0x3F97] =	sst lr;
	_ =	strace $0xD0000000  }
0x3: {  	_ = 	snop  }
0x4: {  	_ = 	snop  }
0x5: {  	_ = 	snop  }
0x6: {  	_ = 	snop  }
0x7: {  	_ = 	snop  }
__scs_overlays_trampoline_lowered:
0x8: {  	[smem:$0x3FA6] =	sst s0  }
0x9: {  	[smem:$0x3FA7] =	sst s1  }
0xa: {  	[smem:$0x3FA8] =	sst s2  }
0xb: {  	[smem:$0x3FA9] =	sst s3  }
0xc: {  	[smem:$0x3FAA] =	sst s4  }
0xd: {  	[smem:$0x3FAB] =	sst s5  }
0xe: {  	[smem:$0x3FAC] =	sst s6  }
0xf: {  	[smem:$0x3FAD] =	sst s7  }
0x10: {  	[smem:$0x3FAE] =	sst s8  }
0x11: {  	[smem:$0x3FAF] =	sst s9;
	s0 =	simm.s32 @!p0 $0x0  }
0x12: {  	s1 =	sld [smem:$0x3F95];
	s0 =	simm.s32 @p0 $0x1  }
0x13: {  	[smem:$0x3FB0] =	sst s0;
	s0 =	simm.s32 @!p1 $0x0  }
0x14: {  	s2 =	sld [smem:$0x3F94];
	s0 =	simm.s32 @p1 $0x1  }
0x15: {  	[smem:$0x3FB1] =	sst s0;
	s0 =	simm.s32 @!p2 $0x0  }
0x16: {  	s3 =	sld [smem:$0x3FDB];
	s0 =	simm.s32 @p2 $0x1  }
0x17: {  	s4 =	simm.s32 $0x1BF5;
	[smem:$0x3FB3] =	sst s0  }
0x18: {  	s0 =	sld [smem:$0x3F96];
	_ =	swait.ge [sflag:s4], $0x0  }
0x19: {  	s7 =	sld [smem:$0x3F97]  }
0x1a: {  	s8 =	sadd.s32 $0xFFFFE003, lr  }
0x1b: {  	s9 =	sadd.s32 $0xFFFFFEF7, lr;
	s5 =	simm.s32 $0xFFFFFFFF;
	p2 =	slt.u32 s8, $0xFFFFF086  }
0x1c: {  	p1 =	slt.u32 s9, $0xF7A;
	s5 =	simm.s32 @!p2 $0x0  }
0x1d: {  	s5 =	simm.s32 @p1 $0x1;
	p0 =	seq.s32 s7, s2  }
0x1e: {  	s7 =	smul.u32 @!p0 $0xF7A, s2;
	p2 =	seq.s32 @!p0 s5, $0x0  }
0x1f: {  	s9 =	smul.u32 $0xF7A, s1;
	s8 =	simm.s32 @!p0 $0x1BF5;
	p2 =	por !p2, p0  }
0x20: {  	[sflag:s8] =	ssyncset.s32 @!p0 $0xFFFFF086;
	s6 =	sadd.s32 @!p0 s3, s7;
	s7 =	simm.s32 @!p0 $0x108  }
0x21: {  	s3 =	sadd.s32 s3, s9;
	s6 =	sadd.s32 @!p0 $0x88, s6;
	s7 =	simm.s32 @p2 $0x1082  }
0x22: {  	[simem:s7], [sflag:s8] =	dma.local @!p0 [hbm:s6], $0xF7A  }
0x23: {  	s9 =	sor.u32 $0xD0000000, s2;
	s6 =	simm.s32 $0x108;
	_ =	swait.ge @!p0 [sflag:s8], $0x0  }
0x24: {  	s3 =	sadd.s32 $0x88, s3;
	s6 =	simm.s32 @!p1 $0x1082;
	[sflag:s4] =	ssyncset.s32 $0xFFFFF086  }
0x25: {  	[simem:s6], [sflag:s4] =	dma.local [hbm:s3], $0xF7A  }
0x26: {  	[smem:$0x3F97] =	sst s1;
	(tag) =	ssettag s2;
	_ =	strace s9  }
0x27: {  	s1 =	sld [smem:$0x3FA7]  }
0x28: {  	s2 =	sld [smem:$0x3FA8]  }
0x29: {  	s4 =	sld [smem:$0x3FAA]  }
0x2a: {  	p0 =	seq.s32 s5, $0x0;
	s5 =	sld [smem:$0x3FAB]  }
0x2b: {  	s6 =	sld [smem:$0x3FAC]  }
0x2c: {  	s7 =	sld [smem:$0x3FAD]  }
0x2d: {  	s3 =	simm.s32 $0x108;
	s8 =	sld [smem:$0x3FAE]  }
0x2e: {  	s3 =	simm.s32 @!p0 $0x1082;
	s9 =	sld [smem:$0x3FAF]  }
0x2f: {  	lr =	sadd.s32 s0, s3;
	s0 =	sld [smem:$0x3FA6]  }
0x30: {  	s3 =	sld [smem:$0x3FA9]  }
0x31: {  	[smem:$0x3FB2] =	sst s10  }
0x32: {  	s10 =	sld [smem:$0x3FB0];
	_ =	sdelay $0x3  }
0x33: {  	p0 =	seq.s32 s10, $0x1;
	s10 =	sld [smem:$0x3FB2];
	_ =	sdelay $0x3  }
0x34: {  	[smem:$0x3FB2] =	sst s10  }
0x35: {  	s10 =	sld [smem:$0x3FB1];
	_ =	sdelay $0x3  }
0x36: {  	p1 =	seq.s32 s10, $0x1;
	s10 =	sld [smem:$0x3FB2];
	_ =	sdelay $0x3  }
0x37: {  	[smem:$0x3FB2] =	sst s10  }
0x38: {  	s10 =	sld [smem:$0x3FB3]  }
0x39: {  	_ = 	snop;
	(pc) =	sbr.ind lr, $3  }
0x3a: {  	_ = 	snop  }
0x3b: {  	_ = 	snop  }
0x3c: {  	p2 =	seq.s32 s10, $0x1;
	s10 =	sld [smem:$0x3FB2]  }
0x3d: {  	_ =	shalt  }
0x3e: {  	_ =	shalt  }
0x3f: {  	_ =	shalt  }
0x40: {  	_ =	shalt  }
0x41: {  	_ =	shalt  }
0x42: {  	_ =	shalt  }
0x43: {  	_ =	shalt  }
0x44: {  	_ =	shalt  }
0x45: {  	_ =	shalt  }
0x46: {  	_ =	shalt  }
0x47: {  	_ =	shalt  }
0x48: {  	_ =	shalt  }
0x49: {  	_ =	shalt  }
0x4a: {  	_ =	shalt  }
0x4b: {  	_ =	shalt  }
0x4c: {  	_ =	shalt  }
0x4d: {  	_ =	shalt  }
0x4e: {  	_ =	shalt  }
0x4f: {  	_ =	shalt  }
0x50: {  	_ =	shalt  }
0x51: {  	_ =	shalt  }
0x52: {  	_ =	shalt  }
0x53: {  	_ =	shalt  }
0x54: {  	_ =	shalt  }
0x55: {  	_ =	shalt  }
0x56: {  	_ =	shalt  }
0x57: {  	_ =	shalt  }
0x58: {  	_ =	shalt  }
0x59: {  	_ =	shalt  }
0x5a: {  	_ =	shalt  }
0x5b: {  	_ =	shalt  }
0x5c: {  	_ =	shalt  }
0x5d: {  	_ =	shalt  }
0x5e: {  	_ =	shalt  }
0x5f: {  	_ =	shalt  }
0x60: {  	_ =	shalt  }
0x61: {  	_ =	shalt  }
0x62: {  	_ =	shalt  }
0x63: {  	_ =	shalt  }
0x64: {  	_ =	shalt  }
0x65: {  	_ =	shalt  }
0x66: {  	_ =	shalt  }
0x67: {  	_ =	shalt  }
0x68: {  	_ =	shalt  }
0x69: {  	_ =	shalt  }
0x6a: {  	_ =	shalt  }
0x6b: {  	_ =	shalt  }
0x6c: {  	_ =	shalt  }
0x6d: {  	_ =	shalt  }
0x6e: {  	_ =	shalt  }
0x6f: {  	_ =	shalt  }
0x70: {  	_ =	shalt  }
0x71: {  	_ =	shalt  }
0x72: {  	_ =	shalt  }
0x73: {  	_ =	shalt  }
0x74: {  	_ =	shalt  }
0x75: {  	_ =	shalt  }
0x76: {  	_ =	shalt  }
0x77: {  	_ =	shalt  }
0x78: {  	_ =	shalt  }
0x79: {  	_ =	shalt  }
0x7a: {  	_ =	shalt  }
0x7b: {  	_ =	shalt  }
0x7c: {  	_ =	shalt  }
0x7d: {  	_ =	shalt  }
0x7e: {  	_ =	shalt  }
0x7f: {  	_ =	shalt  }
0x80: {  	_ =	shalt  }
0x81: {  	_ =	shalt  }
0x82: {  	_ =	shalt  }
0x83: {  	_ =	shalt  }
0x84: {  	_ =	shalt  }
0x85: {  	_ =	shalt  }
0x86: {  	_ =	shalt  }
0x87: {  	_ =	shalt  }
.Lfunc_end0:
.L_simem_size_0:
called_computation_lowered:
.L_overlay_start_0:
0x88: {  	s2 =	sld [smem:$0x3FD9]  }
0x89: {  	s3 =	sld [smem:$0x3FFE];
	_ =	sdelay $0x1  }
0x8a: {  	s1 =	srdreg.scid  }
0x8b: {  	s0 =	sand.u32 $0x1, s1  }
0x8c: {  	s17 =	sshll.u32 s0, $0xA;
	s2 =	sadd.s32 s3, s2  }
0x8d: {  	s2 =	sadd.s32 s2, s17  }
0x8e: {  	[smem:$0x3FBE] =	sst s2  }
0x8f: {  	_ = 	snop  }
0x90: {  	s2 =	sld [smem:$0x3FC8];
	(tm) =	ssettm $0x1  }
0x91: {  	s18 =	sld [smem:$0x3FFB];
	_ =	sdelay $0x3  }
0x92: {  	_ =	strace s18  }
0x93: {  	s3 =	sld [smem:$0x3FFC];
	_ =	sdelay $0x3  }
0x94: {  	_ =	strace s3  }
0x95: {  	s3 =	sld [smem:$0x3FFD];
	_ =	sdelay $0x3  }
0x96: {  	_ =	strace s3  }
0x97: {  	_ =	strace $0x8FFFFFFF  }
0x98: {  	s19 =	sld [smem:$0x3FDB];
	_ =	sdelay $0x1  }
0x99: {  	s4 =	simm.s32 $_scs_section_size  }
0x9a: {  	s5 =	simm.s32 $_size__tile_overlayer_lowered;
	s6 =	simm.s32 $_tile_overlayer_lowered  }
0x9b: {  	s22 =	simm.s32 $0x1BFF;
	s21 =	sshll.u32 s6, $0x1;
	s3 =	sadd.s32 s4, s19  }
0x9c: {  	s7 =	simm.s32 $0x0;
	s20 =	sshll.u32 s5, $0x1;
	s5 =	sadd.s32 s21, s3  }
0x9d: {  	[timem:s7], [sflag:s22] =	dma.local [hbm:s5], s20  }
0x9e: {  	_ =	swait.ge [sflag:s22], s20  }
0x9f: {  	s4 =	ssub.s32 $0x0, s20;
	[sflag:s22] =	ssyncset.done $0x0  }
0xa0: {  	[sflag:s22] =	ssyncadd.s32 s4;
	_ =	sdelay $0x1  }
0xa1: {  	s23 =	simm.s32 $0x1B8B  }
0xa2: {  	_ =	swait.ge [sflag:s23], $0x1  }
0xa3: {  	[sflag:s23] =	ssyncset.done $0x0  }
0xa4: {  	s25 =	simm.s32 $0x1B8E;
	s24 =	sld [smem:$0x3FFE];
	[sflag:s23] =	ssyncadd.s32 $0xFFFFFFFF  }
0xa5: {  	s26 =	simm.s32 $execute0_lowered;
	[smem:$0x3FD2] =	sst s25  }
0xa6: {  	s5 =	sshll.u32 s26, $0x1;
	_ =	strace $0x80000046;
	[dreg:$0x1] =	wrdreg $0xFFFFFFFF  }
0xa7: {  	s28 =	simm.s32 $_size_execute0_lowered;
	s3 =	sadd.s32 s3, s5;
	[dreg:$0x0] =	wrdreg $0x0  }
0xa8: {  	s5 =	sshll.u32 s28, $0x1;
	[dreg:$0x2] =	wrdreg s3  }
0xa9: {  	[dreg:$0x3] =	wrdreg s5  }
0xaa: {  	[dreg:$0x4] =	wrdreg $0xC0  }
0xab: {  	_ =	task [dreg:s7], $0x5FFFF  }
0xac: {  	[dreg:$0x1] =	wrdreg $0xFFFFFFFF  }
0xad: {  	[dreg:$0x0] =	wrdreg $0x60  }
0xae: {  	[dreg:$0x2] =	wrdreg s2  }
0xaf: {  	[dreg:$0x3] =	wrdreg s24  }
0xb0: {  	[dreg:$0x4] =	wrdreg $0x9  }
0xb1: {  	_ =	task.clear_ibuf [dreg:s7], $0x5FFFF;
	_ =	strace $0x90000046  }
0xb2: {  	s29 =	simm.s32 $0x9;
	_ =	strace $0x80000048  }
0xb3: {  	_ =	swait.ge [sflag:s29], $0x1  }
0xb4: {  	[sflag:s29] =	ssyncadd.s32 $0xFFFFFFFF  }
0xb5: {  	_ =	strace $0x90000048  }
0xb6: {  	_ =	sfence  }
0xb7: {  	s30 =	sld [smem:$0x0];
	_ =	sdelay $0x2  }
0xb8: {  	s31 =	sshll.u32 s1, $0xD;
	s1 =	sshrl.u32 s1, $0x2  }
0xb9: {  	s3 =	sand.u32 $0x4000, s31;
	s1 =	sadd.s32 s1, s30  }
0xba: {  	s0 =	sor.u32 s3, s0;
	s1 =	sshll.u32 s1, $0x11  }
0xbb: {  	s0 =	sor.u32 s1, s0  }
0xbc: {  	s0 =	sadd.s32 $0x8F2B, s0  }
0xbd: {  	[sflag:s0] =	ssyncadd.remote.s32 $0x1  }
0xbe: {  	_ =	sfence.sel $0xFFFF  }
0xbf: {  	[dreg:$0x0] =	wrdreg $0xFFFFFFFF;
	(pc) =	sbr.abs _section_cstart, $3  }
0xc0: {  	[dreg:$0x1] =	wrdreg $0xFFFFFFFF  }
0xc1: {  	_ =	task.clear_ibuf [dreg:s7], $0x2FFFF;
	_ =	strace $0x9FFFFFFF  }
0xc2: {  	(tm) =	ssettm $0x7FFFFFFF  }
0xc3: {  	_ =	shalt  }
tec
execute0_lowered:
.L_overlay_start_1:
0x0: {  	(tag) =	ssettag $0x1  }
0x1: {  	s1 =	srdreg.scid;
	s0 =	stileid.u32  }
0x2: {  	s2 =	rddreg [dreg:$0x0];
	s6 =	sand.u32 $0x1, s1;
	s30 =	sshll.u32 s0, $0x1  }
0x3: {  	s9 =	rddreg [dreg:$0x1];
	s7 =	sor.u32 s6, s30  }
0x4: {  	s3 =	simm.s32 $0x0;
	s1 =	rddreg [dreg:$0x2];
	s4 =	smul.u32 $0x6, s7  }
0x5: {  	s8 =	simm.s32 $0x1;
	[smem:$0x7FF] =	sst s3  }
0x6: {  	_ =	strace $0x80000047;
	s11 =	ssub.s32 $0x2, s6;
	s4 =	sadd.s32 s4, s9  }
0x7: {  	s6 =	simm.s32 $0x30;
	s5 =	sadd.s32 $0x1400, s4;
	s4 =	simm.s32 $0x2  }
0x8: {  	[tilespmem:s3], [sflag:$0x2] =	stream.linear.gather [hbm4b:s5+s3], $0x30, $0x38;
	[tilespmem:$0x1880] =	vst v63  }
0x9: {  	s10 =	smul.u32 $0x300, s7;
	s12 =	sshrl.u32 s11, $0x1;
	_ =	swait.ge [sflag:s4], $0x30  }
0xa: {  	s7 =	simm.s32 $0x80;
	s31 =	ssub.s32 s11, s12;
	[sflag:s4] =	ssyncset.done $0x0  }
0xb: {  	s9 =	sadd.s32 s10, s9;
	s10 =	smax.u32 s31, $0x1;
	[sflag:s4] =	ssyncadd.s32 $0xFFFFFFD0  }
0xc: {  	[tilespmem:s7], [sflag:$0x1] =	stream.indirect.gather [hbm4b:s2+s6], $0x80, s3, s6, $0xb8;
	[tilespmem:$0x1880] =	vst v63  }
0xd: {  	p0 =	sne.s32 s10, $0x1;
	_ =	swait.ge [sflag:s8], $0x1800  }
.Ltmp0:
0xe: {  	[sflag:s8] =	ssyncset.done $0x0;
	(pc) =	sbr.rel @!p0 .LBB2_2-.Ltmp0, $4  }
0xf: {  	s9 =	sadd.s32 $0x1600, s9;
	[sflag:s8] =	ssyncadd.s32 $0xFFFFE800  }
0x10: {  	[hbm4b:s9+s3] =	stream.linear.scatter [tilespmem:s7], [sflag:$0x2], $0x1800, $0x38;
	[tilespmem:$0x1880] =	vst v63  }
0x11: {  	_ =	swait.ge [sflag:s4], $0x1800  }
0x12: {  	s10 =	sadd.s32 $0xFFFFFFFF, s10;
	[sflag:s4] =	ssyncset.done $0x0  }
.LBB2_1:
0x13: {  	p0 =	sne.s32 s10, $0x1;
	s10 =	sadd.s32 $0xFFFFFFFF, s10;
	[sflag:s4] =	ssyncadd.s32 $0xFFFFE800  }
0x14: {  	[tilespmem:s3], [sflag:$0x2] =	stream.linear.gather [hbm4b:s5+s3], $0x30, $0x38;
	[tilespmem:$0x1880] =	vst v63  }
0x15: {  	_ =	swait.ge [sflag:s4], $0x30  }
0x16: {  	[sflag:s4] =	ssyncset.done $0x0  }
0x17: {  	[sflag:s4] =	ssyncadd.s32 $0xFFFFFFD0  }
0x18: {  	[tilespmem:s7], [sflag:$0x1] =	stream.indirect.gather [hbm4b:s2+s6], $0x80, s3, s6, $0xb8;
	[tilespmem:$0x1880] =	vst v63  }
0x19: {  	_ =	swait.ge [sflag:s8], $0x1800  }
.Ltmp1:
0x1a: {  	[sflag:s8] =	ssyncset.done $0x0;
	(pc) =	sbr.rel @p0 .LBB2_1-.Ltmp1, $4  }
0x1b: {  	[sflag:s8] =	ssyncadd.s32 $0xFFFFE800  }
0x1c: {  	[hbm4b:s9+s3] =	stream.linear.scatter [tilespmem:s7], [sflag:$0x2], $0x1800, $0x38;
	[tilespmem:$0x1880] =	vst v63  }
0x1d: {  	_ =	swait.ge [sflag:s4], $0x1800  }
0x1e: {  	[sflag:s4] =	ssyncset.done $0x0  }
.LBB2_2:
0x1f: {  	[sflag:s4] =	ssyncadd.s32 $0xFFFFE800  }
0x20: {  	_ =	sfence.sel $0x180000  }
0x21: {  	[bflag:$0x0] =	sbarrier.arrive $0xFFFF  }
0x22: {  	p0 =	sne.s32 s0, $0x0;
	_ =	strace $0x90000047  }
0x23: {  	s0 =	sadd.s32 @!p0 $0x100000, s1;
	[bflag:$0x2] =	sbarrier.arrive $0xFFFF  }
0x24: {  	[sflag:s0] =	ssyncadd.tile.s32 @!p0 $0x1;
	_ =	shalt  }
.Lfunc_end2:
_tile_overlayer_lowered:
.L_overlay_start_2:
0x25: {  	(tag) =	ssettag $0x2  }
0x26: {  	s0 =	rddreg [dreg:$0x0];
	s2 =	stileid.u32  }
0x27: {  	s1 =	rddreg [dreg:$0x1];
	p0 =	sne.s32 s2, $0x0  }
0x28: {  	s3 =	rddreg [dreg:$0x2];
	[bflag:$0x3] =	sbarrier.arrive $0xFFFF;
	s2 =	simm.s32 @!p0 $0x1C02  }
0x29: {  	[timem:s3], [sflag:s2] =	dma.local @!p0 [hbm:s0], s1  }
0x2a: {  	s0 =	simm.s32 @!p0 $0x2  }
0x2b: {  	_ =	swait.ge @!p0 [sflag:s0], s1  }
0x2c: {  	s1 =	ssub.s32 @!p0 $0x0, s1;
	[sflag:s0] =	ssyncset.done @!p0 $0x0  }
0x2d: {  	[sflag:s0] =	ssyncadd.s32 @!p0 s1  }
0x2e: {  	[bflag:$0x3] =	sbarrier.arrive $0xFFFF  }
0x2f: {  	_ =	shalt  }

</sc_bundles>
